<compile_context>
chip_gen: v7x
topology: tpu7x:2x2x1
jax: 0.10.2.dev20260603
libtpu: 0.0.44.dev20260713+nightly
codegen_flags: <defaults>
</compile_context>

<pallas_src>
import functools

import jax
import jax.numpy as jnp
from jax import lax
from jax.experimental import pallas as pl
from jax.experimental.pallas import tpu as pltpu
from jax.experimental.pallas import tpu_sc as plsc

NUM_CLASSES = 1000
FEAT_DIM = 128
BATCH = 4096

NC = 2
NS = 16
L = 16
NW = NC * NS
BPW = BATCH // NW
CHUNKS = FEAT_DIM // L
NBUF = 1
RPC = BPW // NBUF


def _body(y_hbm, feat_hbm, centers_hbm, out_hbm, idx_v, cen_v, feat_v,
          stage_v, fsem, gsems):
    cid = lax.axis_index("c")
    sid = lax.axis_index("s")
    wid = sid * NC + cid
    base = wid * BPW

    feat_cp = pltpu.async_copy(feat_hbm.at[pl.ds(base, BPW)], feat_v, fsem)
    pltpu.sync_copy(y_hbm.at[pl.ds(base, BPW)], idx_v)
    gathers = [
        pltpu.async_copy(
            centers_hbm.at[idx_v.at[pl.ds(k * RPC, RPC)]],
            cen_v.at[pl.ds(k * RPC, RPC)], gsems.at[k])
        for k in range(NBUF)
    ]
    feat_cp.wait()

    accs = tuple(jnp.zeros((L,), jnp.float32) for _ in range(CHUNKS))
    for k in range(NBUF):
        gathers[k].wait()

        def row(r, a):
            new = []
            for c in range(CHUNKS):
                f = feat_v[r, pl.ds(c * L, L)]
                g = cen_v[r, pl.ds(c * L, L)]
                d = f - g
                new.append(a[c] + d * d)
            return tuple(new)

        accs = plsc.parallel_loop(k * RPC, (k + 1) * RPC, carry=accs)(row)

    acc = ((accs[0] + accs[1]) + (accs[2] + accs[3])) + \
          ((accs[4] + accs[5]) + (accs[6] + accs[7]))
    stage_v[...] = acc
    pltpu.sync_copy(stage_v, out_hbm.at[wid])


@functools.partial(jax.jit, static_argnames=())
def kernel(y, feat, centers):
    mesh = plsc.VectorSubcoreMesh(
        core_axis_name="c", subcore_axis_name="s",
        num_cores=NC, num_subcores=NS)
    partials = pl.kernel(
        _body,
        out_type=jax.ShapeDtypeStruct((NW, L), jnp.float32),
        mesh=mesh,
        scratch_types=[
            pltpu.VMEM((BPW,), jnp.int32),
            pltpu.VMEM((BPW, FEAT_DIM), jnp.float32),
            pltpu.VMEM((BPW, FEAT_DIM), jnp.float32),
            pltpu.VMEM((L,), jnp.float32),
            pltpu.SemaphoreType.DMA,
            pltpu.SemaphoreType.DMA((NBUF,)),
        ],
    )(y, feat, centers)
    return jnp.sum(partials) * jnp.float32(0.5)

# --- scband reference (transcript-rebuilt; emitter-appended) ---
"""Pipeline reference for scband-center-loss-1357209665670 (READ-ONLY COPY).

The authoritative reference and input builder live on the scoring server;
editing this copy changes nothing except your own understanding.
"""

import jax, jax.numpy as jnp
import numpy as np

NUM_CLASSES = 1000
FEAT_DIM = 128
BATCH = 4096

def setup_inputs(seed: int = 0) -> dict:
    key = jax.random.key(seed)
    k1, k2, k3 = jax.random.split(key, 3)
    y = jax.random.randint(k1, (BATCH,), 0, NUM_CLASSES, dtype=jnp.int64 if jax.config.jax_enable_x64 else jnp.int32).astype(jnp.int32)
    feat = jax.random.normal(k2, (BATCH, FEAT_DIM), dtype=jnp.float32)
    centers = jax.random.normal(k3, (NUM_CLASSES, FEAT_DIM), dtype=jnp.float32)
    return {"y": y, "feat": feat, "centers": centers}

def reference(y, feat, centers):
    # feat.view(B,1,1,-1).squeeze() -> (B, feat_dim)
    feat = feat.reshape(feat.shape[0], -1)
    centers_pred = jnp.take(centers, y, axis=0)  # gather centers by label
    loss = jnp.sum(jnp.sum((feat - centers_pred) ** 2, axis=1), axis=0) / 2.0
    return loss

if __name__ == "__main__":
    import jax
    _d = setup_inputs()
    print(jax.jit(kernel)(*tuple(_d.values())))

</pallas_src>

<mosaic_0001>
#map = affine_map<(d0, d1) -> (0)>
#map1 = affine_map<(d0, d1) -> (0, 0)>
module attributes {stable_mosaic.version = 14 : i64} {
  func.func @_body(%arg0: i32, %arg1: i32, %arg2: memref<4096xi32, #tpu.memory_space<hbm>>, %arg3: memref<4096x128xf32, #tpu.memory_space<hbm>>, %arg4: memref<1000x128xf32, #tpu.memory_space<hbm>>, %arg5: memref<32x16xf32, #tpu.memory_space<hbm>>, %arg6: memref<128xi32, #tpu.memory_space<vmem>>, %arg7: memref<128x128xf32, #tpu.memory_space<vmem>>, %arg8: memref<128x128xf32, #tpu.memory_space<vmem>>, %arg9: memref<16xf32, #tpu.memory_space<vmem>>, %arg10: memref<!tpu.dma_semaphore, #tpu.memory_space<semaphore_mem>>, %arg11: memref<1x!tpu.dma_semaphore, #tpu.memory_space<semaphore_mem>>) attributes {dimension_semantics = [#tpu.dimension_semantics<core_parallel>, #tpu.dimension_semantics<subcore_parallel>], iteration_bounds = array<i64: 2, 16>, scalar_prefetch = 0 : i64, scratch_operands = 6 : i64, tpu.core_type = #tpu.core_type<sc_vector_subcore>, window_params = [{transform_indices = #map}, {transform_indices = #map1}, {transform_indices = #map1}, {transform_indices = #map1}]} {
    %mul3A = arith.constant 2 : i32
    %mul3A_0 = arith.muli %arg1, %mul3A : i32
    %add3A = arith.addi %mul3A_0, %arg0 : i32
    %mul3A_1 = arith.constant 128 : i32
    %mul3A_2 = arith.muli %add3A, %mul3A_1 : i32
    %dma_start3A = arith.constant 0 : i32
    %dma_start3A_3 = tpu.memref_slice %arg3[%mul3A_2, %dma_start3A] : memref<4096x128xf32, #tpu.memory_space<hbm>> -> memref<128x128xf32, #tpu.memory_space<hbm>>
    %dma_start3A_4 = arith.constant 0 : i32
    %dma_start3A_5 = tpu.memref_slice %arg3[%mul3A_2, %dma_start3A_4] : memref<4096x128xf32, #tpu.memory_space<hbm>> -> memref<128x128xf32, #tpu.memory_space<hbm>>
    tpu.enqueue_dma source(%dma_start3A_5 : memref<128x128xf32, #tpu.memory_space<hbm>>) target(%arg8 : memref<128x128xf32, #tpu.memory_space<vmem>>) target_semaphore(%arg10 : memref<!tpu.dma_semaphore, #tpu.memory_space<semaphore_mem>>)
    "tpu.region"() ({
      %run_scoped3A = tpu.sem_alloc : memref<!tpu.dma_semaphore, #tpu.memory_space<semaphore_mem>>
      %dma_start3A_59 = tpu.memref_slice %arg2[%mul3A_2] : memref<4096xi32, #tpu.memory_space<hbm>> -> memref<128xi32, #tpu.memory_space<hbm>>
      %dma_start3A_60 = tpu.memref_slice %arg2[%mul3A_2] : memref<4096xi32, #tpu.memory_space<hbm>> -> memref<128xi32, #tpu.memory_space<hbm>>
      tpu.enqueue_dma source(%dma_start3A_60 : memref<128xi32, #tpu.memory_space<hbm>>) target(%arg6 : memref<128xi32, #tpu.memory_space<vmem>>) target_semaphore(%run_scoped3A : memref<!tpu.dma_semaphore, #tpu.memory_space<semaphore_mem>>)
      %dma_wait3A_61 = tpu.memref_slice %arg2[%mul3A_2] : memref<4096xi32, #tpu.memory_space<hbm>> -> memref<128xi32, #tpu.memory_space<hbm>>
      %dma_wait3A_62 = tpu.memref_slice %arg2[%mul3A_2] : memref<4096xi32, #tpu.memory_space<hbm>> -> memref<128xi32, #tpu.memory_space<hbm>>
      tpu.wait_dma2 semaphore(%run_scoped3A : memref<!tpu.dma_semaphore, #tpu.memory_space<semaphore_mem>>) src(%dma_wait3A_62 : memref<128xi32, #tpu.memory_space<hbm>>) dst(%arg6 : memref<128xi32, #tpu.memory_space<vmem>>)
      tpu.yield
    }) : () -> ()
    %dma_start3A_6 = arith.constant 0 : i32
    %dma_start3A_7 = arith.constant 0 : i32
    %dma_start3A_8 = arith.constant 0 : i32
    %dma_start3A_9 = tpu.memref_slice %arg7[%dma_start3A_7, %dma_start3A_8] : memref<128x128xf32, #tpu.memory_space<vmem>> -> memref<128x128xf32, #tpu.memory_space<vmem>>
    %dma_start3A_10 = arith.constant 0 : i32
    %dma_start3A_11 = tpu.memref_slice %arg6[%dma_start3A_10] : memref<128xi32, #tpu.memory_space<vmem>> -> memref<128xi32, #tpu.memory_space<vmem>>
    %dma_start3A_12 = arith.constant 0 : i32
    %dma_start3A_13 = arith.constant 0 : i32
    %dma_start3A_14 = tpu.memref_slice %arg4[%dma_start3A_12, %dma_start3A_13] : memref<1000x128xf32, #tpu.memory_space<hbm>> -> memref<1000x128xf32, #tpu.memory_space<hbm>>
    %dma_start3A_15 = tpu.memref_slice %arg11[%dma_start3A_6] : memref<1x!tpu.dma_semaphore, #tpu.memory_space<semaphore_mem>> -> memref<1x!tpu.dma_semaphore, #tpu.memory_space<semaphore_mem>>
    %dma_start3A_16 = tpu.memref_squeeze %dma_start3A_15 : memref<1x!tpu.dma_semaphore, #tpu.memory_space<semaphore_mem>> -> memref<!tpu.dma_semaphore, #tpu.memory_space<semaphore_mem>>
    tpu.enqueue_indirect_dma source(%dma_start3A_14 : memref<1000x128xf32, #tpu.memory_space<hbm>>) target(%dma_start3A_9 : memref<128x128xf32, #tpu.memory_space<vmem>>) offsets(%dma_start3A_11 : memref<128xi32, #tpu.memory_space<vmem>>) semaphore(%dma_start3A_16 : memref<!tpu.dma_semaphore, #tpu.memory_space<semaphore_mem>>)
    %dma_wait3A = arith.constant 0 : i32
    %dma_wait3A_17 = tpu.memref_slice %arg3[%mul3A_2, %dma_wait3A] : memref<4096x128xf32, #tpu.memory_space<hbm>> -> memref<128x128xf32, #tpu.memory_space<hbm>>
    %dma_wait3A_18 = arith.constant 0 : i32
    %dma_wait3A_19 = tpu.memref_slice %arg3[%mul3A_2, %dma_wait3A_18] : memref<4096x128xf32, #tpu.memory_space<hbm>> -> memref<128x128xf32, #tpu.memory_space<hbm>>
    tpu.wait_dma2 semaphore(%arg10 : memref<!tpu.dma_semaphore, #tpu.memory_space<semaphore_mem>>) src(%dma_wait3A_19 : memref<128x128xf32, #tpu.memory_space<hbm>>) dst(%arg8 : memref<128x128xf32, #tpu.memory_space<vmem>>)
    %broadcast_in_dim3A = arith.constant 0.000000e+00 : f32
    %broadcast_in_dim3A_20 = vector.broadcast %broadcast_in_dim3A : f32 to vector<16xf32>
    %broadcast_in_dim3A_21 = arith.constant 0.000000e+00 : f32
    %broadcast_in_dim3A_22 = vector.broadcast %broadcast_in_dim3A_21 : f32 to vector<16xf32>
    %broadcast_in_dim3A_23 = arith.constant 0.000000e+00 : f32
    %broadcast_in_dim3A_24 = vector.broadcast %broadcast_in_dim3A_23 : f32 to vector<16xf32>
    %broadcast_in_dim3A_25 = arith.constant 0.000000e+00 : f32
    %broadcast_in_dim3A_26 = vector.broadcast %broadcast_in_dim3A_25 : f32 to vector<16xf32>
    %broadcast_in_dim3A_27 = arith.constant 0.000000e+00 : f32
    %broadcast_in_dim3A_28 = vector.broadcast %broadcast_in_dim3A_27 : f32 to vector<16xf32>
    %broadcast_in_dim3A_29 = arith.constant 0.000000e+00 : f32
    %broadcast_in_dim3A_30 = vector.broadcast %broadcast_in_dim3A_29 : f32 to vector<16xf32>
    %broadcast_in_dim3A_31 = arith.constant 0.000000e+00 : f32
    %broadcast_in_dim3A_32 = vector.broadcast %broadcast_in_dim3A_31 : f32 to vector<16xf32>
    %broadcast_in_dim3A_33 = arith.constant 0.000000e+00 : f32
    %broadcast_in_dim3A_34 = vector.broadcast %broadcast_in_dim3A_33 : f32 to vector<16xf32>
    %dma_wait3A_35 = arith.constant 0 : i32
    %dma_wait3A_36 = arith.constant 0 : i32
    %dma_wait3A_37 = arith.constant 0 : i32
    %dma_wait3A_38 = tpu.memref_slice %arg7[%dma_wait3A_36, %dma_wait3A_37] : memref<128x128xf32, #tpu.memory_space<vmem>> -> memref<128x128xf32, #tpu.memory_space<vmem>>
    %dma_wait3A_39 = arith.constant 0 : i32
    %dma_wait3A_40 = tpu.memref_slice %arg6[%dma_wait3A_39] : memref<128xi32, #tpu.memory_space<vmem>> -> memref<128xi32, #tpu.memory_space<vmem>>
    %dma_wait3A_41 = arith.constant 0 : i32
    %dma_wait3A_42 = arith.constant 0 : i32
    %dma_wait3A_43 = tpu.memref_slice %arg4[%dma_wait3A_41, %dma_wait3A_42] : memref<1000x128xf32, #tpu.memory_space<hbm>> -> memref<1000x128xf32, #tpu.memory_space<hbm>>
    %dma_wait3A_44 = tpu.memref_slice %arg11[%dma_wait3A_35] : memref<1x!tpu.dma_semaphore, #tpu.memory_space<semaphore_mem>> -> memref<1x!tpu.dma_semaphore, #tpu.memory_space<semaphore_mem>>
    %dma_wait3A_45 = tpu.memref_squeeze %dma_wait3A_44 : memref<1x!tpu.dma_semaphore, #tpu.memory_space<semaphore_mem>> -> memref<!tpu.dma_semaphore, #tpu.memory_space<semaphore_mem>>
    tpu.wait_indirect_dma semaphore(%dma_wait3A_45 : memref<!tpu.dma_semaphore, #tpu.memory_space<semaphore_mem>>) src(%dma_wait3A_43 : memref<1000x128xf32, #tpu.memory_space<hbm>>) dst(%dma_wait3A_38 : memref<128x128xf32, #tpu.memory_space<vmem>>)
    %parallel_loop3A = arith.constant 0 : i32
    %parallel_loop3A_46 = arith.constant 128 : i32
    %parallel_loop3A_47 = arith.constant 1 : i32
    %parallel_loop3A_48:8 = scf.for %parallel_loop3A_59 = %parallel_loop3A to %parallel_loop3A_46 step %parallel_loop3A_47 iter_args(%parallel_loop3A_60 = %broadcast_in_dim3A_20, %parallel_loop3A_61 = %broadcast_in_dim3A_22, %parallel_loop3A_62 = %broadcast_in_dim3A_24, %parallel_loop3A_63 = %broadcast_in_dim3A_26, %parallel_loop3A_64 = %broadcast_in_dim3A_28, %parallel_loop3A_65 = %broadcast_in_dim3A_30, %parallel_loop3A_66 = %broadcast_in_dim3A_32, %parallel_loop3A_67 = %broadcast_in_dim3A_34) -> (vector<16xf32>, vector<16xf32>, vector<16xf32>, vector<16xf32>, vector<16xf32>, vector<16xf32>, vector<16xf32>, vector<16xf32>)  : i32 {
      %parallel_loop3A_68 = arith.index_cast %parallel_loop3A_59 : i32 to index
      %parallel_loop3A_69 = arith.constant 0 : index
      %parallel_loop3A_70 = tpu.vector_load %arg8[%parallel_loop3A_68, %parallel_loop3A_69] {strides = array<i32>} : memref<128x128xf32, #tpu.memory_space<vmem>>, vector<1x16xf32>,
      %parallel_loop3A_71 = vector.shape_cast %parallel_loop3A_70 : vector<1x16xf32> to vector<16xf32>
      %parallel_loop3A_72 = arith.index_cast %parallel_loop3A_59 : i32 to index
      %parallel_loop3A_73 = arith.constant 0 : index
      %parallel_loop3A_74 = tpu.vector_load %arg7[%parallel_loop3A_72, %parallel_loop3A_73] {strides = array<i32>} : memref<128x128xf32, #tpu.memory_space<vmem>>, vector<1x16xf32>,
      %parallel_loop3A_75 = vector.shape_cast %parallel_loop3A_74 : vector<1x16xf32> to vector<16xf32>
      %parallel_loop3A_76 = arith.subf %parallel_loop3A_71, %parallel_loop3A_75 : vector<16xf32>
      %parallel_loop3A_77 = arith.mulf %parallel_loop3A_76, %parallel_loop3A_76 : vector<16xf32>
      %parallel_loop3A_78 = arith.addf %parallel_loop3A_60, %parallel_loop3A_77 : vector<16xf32>
      %parallel_loop3A_79 = arith.index_cast %parallel_loop3A_59 : i32 to index
      %parallel_loop3A_80 = arith.constant 16 : index
      %parallel_loop3A_81 = tpu.vector_load %arg8[%parallel_loop3A_79, %parallel_loop3A_80] {strides = array<i32>} : memref<128x128xf32, #tpu.memory_space<vmem>>, vector<1x16xf32>,
      %parallel_loop3A_82 = vector.shape_cast %parallel_loop3A_81 : vector<1x16xf32> to vector<16xf32>
      %parallel_loop3A_83 = arith.index_cast %parallel_loop3A_59 : i32 to index
      %parallel_loop3A_84 = arith.constant 16 : index
      %parallel_loop3A_85 = tpu.vector_load %arg7[%parallel_loop3A_83, %parallel_loop3A_84] {strides = array<i32>} : memref<128x128xf32, #tpu.memory_space<vmem>>, vector<1x16xf32>,
      %parallel_loop3A_86 = vector.shape_cast %parallel_loop3A_85 : vector<1x16xf32> to vector<16xf32>
      %parallel_loop3A_87 = arith.subf %parallel_loop3A_82, %parallel_loop3A_86 : vector<16xf32>
      %parallel_loop3A_88 = arith.mulf %parallel_loop3A_87, %parallel_loop3A_87 : vector<16xf32>
      %parallel_loop3A_89 = arith.addf %parallel_loop3A_61, %parallel_loop3A_88 : vector<16xf32>
      %parallel_loop3A_90 = arith.index_cast %parallel_loop3A_59 : i32 to index
      %parallel_loop3A_91 = arith.constant 32 : index
      %parallel_loop3A_92 = tpu.vector_load %arg8[%parallel_loop3A_90, %parallel_loop3A_91] {strides = array<i32>} : memref<128x128xf32, #tpu.memory_space<vmem>>, vector<1x16xf32>,
      %parallel_loop3A_93 = vector.shape_cast %parallel_loop3A_92 : vector<1x16xf32> to vector<16xf32>
      %parallel_loop3A_94 = arith.index_cast %parallel_loop3A_59 : i32 to index
      %parallel_loop3A_95 = arith.constant 32 : index
      %parallel_loop3A_96 = tpu.vector_load %arg7[%parallel_loop3A_94, %parallel_loop3A_95] {strides = array<i32>} : memref<128x128xf32, #tpu.memory_space<vmem>>, vector<1x16xf32>,
      %parallel_loop3A_97 = vector.shape_cast %parallel_loop3A_96 : vector<1x16xf32> to vector<16xf32>
      %parallel_loop3A_98 = arith.subf %parallel_loop3A_93, %parallel_loop3A_97 : vector<16xf32>
      %parallel_loop3A_99 = arith.mulf %parallel_loop3A_98, %parallel_loop3A_98 : vector<16xf32>
      %parallel_loop3A_100 = arith.addf %parallel_loop3A_62, %parallel_loop3A_99 : vector<16xf32>
      %parallel_loop3A_101 = arith.index_cast %parallel_loop3A_59 : i32 to index
      %parallel_loop3A_102 = arith.constant 48 : index
      %parallel_loop3A_103 = tpu.vector_load %arg8[%parallel_loop3A_101, %parallel_loop3A_102] {strides = array<i32>} : memref<128x128xf32, #tpu.memory_space<vmem>>, vector<1x16xf32>,
      %parallel_loop3A_104 = vector.shape_cast %parallel_loop3A_103 : vector<1x16xf32> to vector<16xf32>
      %parallel_loop3A_105 = arith.index_cast %parallel_loop3A_59 : i32 to index
      %parallel_loop3A_106 = arith.constant 48 : index
      %parallel_loop3A_107 = tpu.vector_load %arg7[%parallel_loop3A_105, %parallel_loop3A_106] {strides = array<i32>} : memref<128x128xf32, #tpu.memory_space<vmem>>, vector<1x16xf32>,
      %parallel_loop3A_108 = vector.shape_cast %parallel_loop3A_107 : vector<1x16xf32> to vector<16xf32>
      %parallel_loop3A_109 = arith.subf %parallel_loop3A_104, %parallel_loop3A_108 : vector<16xf32>
      %parallel_loop3A_110 = arith.mulf %parallel_loop3A_109, %parallel_loop3A_109 : vector<16xf32>
      %parallel_loop3A_111 = arith.addf %parallel_loop3A_63, %parallel_loop3A_110 : vector<16xf32>
      %parallel_loop3A_112 = arith.index_cast %parallel_loop3A_59 : i32 to index
      %parallel_loop3A_113 = arith.constant 64 : index
      %parallel_loop3A_114 = tpu.vector_load %arg8[%parallel_loop3A_112, %parallel_loop3A_113] {strides = array<i32>} : memref<128x128xf32, #tpu.memory_space<vmem>>, vector<1x16xf32>,
      %parallel_loop3A_115 = vector.shape_cast %parallel_loop3A_114 : vector<1x16xf32> to vector<16xf32>
      %parallel_loop3A_116 = arith.index_cast %parallel_loop3A_59 : i32 to index
      %parallel_loop3A_117 = arith.constant 64 : index
      %parallel_loop3A_118 = tpu.vector_load %arg7[%parallel_loop3A_116, %parallel_loop3A_117] {strides = array<i32>} : memref<128x128xf32, #tpu.memory_space<vmem>>, vector<1x16xf32>,
      %parallel_loop3A_119 = vector.shape_cast %parallel_loop3A_118 : vector<1x16xf32> to vector<16xf32>
      %parallel_loop3A_120 = arith.subf %parallel_loop3A_115, %parallel_loop3A_119 : vector<16xf32>
      %parallel_loop3A_121 = arith.mulf %parallel_loop3A_120, %parallel_loop3A_120 : vector<16xf32>
      %parallel_loop3A_122 = arith.addf %parallel_loop3A_64, %parallel_loop3A_121 : vector<16xf32>
      %parallel_loop3A_123 = arith.index_cast %parallel_loop3A_59 : i32 to index
      %parallel_loop3A_124 = arith.constant 80 : index
      %parallel_loop3A_125 = tpu.vector_load %arg8[%parallel_loop3A_123, %parallel_loop3A_124] {strides = array<i32>} : memref<128x128xf32, #tpu.memory_space<vmem>>, vector<1x16xf32>,
      %parallel_loop3A_126 = vector.shape_cast %parallel_loop3A_125 : vector<1x16xf32> to vector<16xf32>
      %parallel_loop3A_127 = arith.index_cast %parallel_loop3A_59 : i32 to index
      %parallel_loop3A_128 = arith.constant 80 : index
      %parallel_loop3A_129 = tpu.vector_load %arg7[%parallel_loop3A_127, %parallel_loop3A_128] {strides = array<i32>} : memref<128x128xf32, #tpu.memory_space<vmem>>, vector<1x16xf32>,
      %parallel_loop3A_130 = vector.shape_cast %parallel_loop3A_129 : vector<1x16xf32> to vector<16xf32>
      %parallel_loop3A_131 = arith.subf %parallel_loop3A_126, %parallel_loop3A_130 : vector<16xf32>
      %parallel_loop3A_132 = arith.mulf %parallel_loop3A_131, %parallel_loop3A_131 : vector<16xf32>
      %parallel_loop3A_133 = arith.addf %parallel_loop3A_65, %parallel_loop3A_132 : vector<16xf32>
      %parallel_loop3A_134 = arith.index_cast %parallel_loop3A_59 : i32 to index
      %parallel_loop3A_135 = arith.constant 96 : index
      %parallel_loop3A_136 = tpu.vector_load %arg8[%parallel_loop3A_134, %parallel_loop3A_135] {strides = array<i32>} : memref<128x128xf32, #tpu.memory_space<vmem>>, vector<1x16xf32>,
      %parallel_loop3A_137 = vector.shape_cast %parallel_loop3A_136 : vector<1x16xf32> to vector<16xf32>
      %parallel_loop3A_138 = arith.index_cast %parallel_loop3A_59 : i32 to index
      %parallel_loop3A_139 = arith.constant 96 : index
      %parallel_loop3A_140 = tpu.vector_load %arg7[%parallel_loop3A_138, %parallel_loop3A_139] {strides = array<i32>} : memref<128x128xf32, #tpu.memory_space<vmem>>, vector<1x16xf32>,
      %parallel_loop3A_141 = vector.shape_cast %parallel_loop3A_140 : vector<1x16xf32> to vector<16xf32>
      %parallel_loop3A_142 = arith.subf %parallel_loop3A_137, %parallel_loop3A_141 : vector<16xf32>
      %parallel_loop3A_143 = arith.mulf %parallel_loop3A_142, %parallel_loop3A_142 : vector<16xf32>
      %parallel_loop3A_144 = arith.addf %parallel_loop3A_66, %parallel_loop3A_143 : vector<16xf32>
      %parallel_loop3A_145 = arith.index_cast %parallel_loop3A_59 : i32 to index
      %parallel_loop3A_146 = arith.constant 112 : index
      %parallel_loop3A_147 = tpu.vector_load %arg8[%parallel_loop3A_145, %parallel_loop3A_146] {strides = array<i32>} : memref<128x128xf32, #tpu.memory_space<vmem>>, vector<1x16xf32>,
      %parallel_loop3A_148 = vector.shape_cast %parallel_loop3A_147 : vector<1x16xf32> to vector<16xf32>
      %parallel_loop3A_149 = arith.index_cast %parallel_loop3A_59 : i32 to index
      %parallel_loop3A_150 = arith.constant 112 : index
      %parallel_loop3A_151 = tpu.vector_load %arg7[%parallel_loop3A_149, %parallel_loop3A_150] {strides = array<i32>} : memref<128x128xf32, #tpu.memory_space<vmem>>, vector<1x16xf32>,
      %parallel_loop3A_152 = vector.shape_cast %parallel_loop3A_151 : vector<1x16xf32> to vector<16xf32>
      %parallel_loop3A_153 = arith.subf %parallel_loop3A_148, %parallel_loop3A_152 : vector<16xf32>
      %parallel_loop3A_154 = arith.mulf %parallel_loop3A_153, %parallel_loop3A_153 : vector<16xf32>
      %parallel_loop3A_155 = arith.addf %parallel_loop3A_67, %parallel_loop3A_154 : vector<16xf32>
      scf.yield %parallel_loop3A_78, %parallel_loop3A_89, %parallel_loop3A_100, %parallel_loop3A_111, %parallel_loop3A_122, %parallel_loop3A_133, %parallel_loop3A_144, %parallel_loop3A_155 : vector<16xf32>, vector<16xf32>, vector<16xf32>, vector<16xf32>, vector<16xf32>, vector<16xf32>, vector<16xf32>, vector<16xf32>
    } {sc.loop_unroll_factor = 1 : i64, sc.parallel_access}
    %add3A_49 = arith.addf %parallel_loop3A_48#0, %parallel_loop3A_48#1 : vector<16xf32>
    %add3A_50 = arith.addf %parallel_loop3A_48#2, %parallel_loop3A_48#3 : vector<16xf32>
    %add3A_51 = arith.addf %add3A_49, %add3A_50 : vector<16xf32>
    %add3A_52 = arith.addf %parallel_loop3A_48#4, %parallel_loop3A_48#5 : vector<16xf32>
    %add3A_53 = arith.addf %parallel_loop3A_48#6, %parallel_loop3A_48#7 : vector<16xf32>
    %add3A_54 = arith.addf %add3A_52, %add3A_53 : vector<16xf32>
    %add3A_55 = arith.addf %add3A_51, %add3A_54 : vector<16xf32>
    %swap3A = arith.constant 0 : index
    %swap3A_56 = tpu.vector_load %arg9[%swap3A] {strides = array<i32>} : memref<16xf32, #tpu.memory_space<vmem>>, vector<16xf32>,
    %swap3A_57 = vector.shape_cast %swap3A_56 : vector<16xf32> to vector<16xf32>
    %swap3A_58 = vector.shape_cast %add3A_55 : vector<16xf32> to vector<16xf32>
    tpu.vector_store %arg9[%swap3A], %swap3A_58 {strides = array<i32>} : memref<16xf32, #tpu.memory_space<vmem>>, vector<16xf32>,
    "tpu.region"() ({
      %run_scoped3A = tpu.sem_alloc : memref<!tpu.dma_semaphore, #tpu.memory_space<semaphore_mem>>
      %dma_start3A_59 = arith.constant 0 : i32
      %dma_start3A_60 = tpu.memref_slice %arg5[%add3A, %dma_start3A_59] : memref<32x16xf32, #tpu.memory_space<hbm>> -> memref<1x16xf32, #tpu.memory_space<hbm>>
      %dma_start3A_61 = tpu.memref_squeeze %dma_start3A_60 : memref<1x16xf32, #tpu.memory_space<hbm>> -> memref<16xf32, #tpu.memory_space<hbm>>
      %dma_start3A_62 = arith.constant 0 : i32
      %dma_start3A_63 = tpu.memref_slice %arg5[%add3A, %dma_start3A_62] : memref<32x16xf32, #tpu.memory_space<hbm>> -> memref<1x16xf32, #tpu.memory_space<hbm>>
      %dma_start3A_64 = tpu.memref_squeeze %dma_start3A_63 : memref<1x16xf32, #tpu.memory_space<hbm>> -> memref<16xf32, #tpu.memory_space<hbm>>
      tpu.enqueue_dma source(%arg9 : memref<16xf32, #tpu.memory_space<vmem>>) target(%dma_start3A_64 : memref<16xf32, #tpu.memory_space<hbm>>) target_semaphore(%run_scoped3A : memref<!tpu.dma_semaphore, #tpu.memory_space<semaphore_mem>>)
      %dma_wait3A_65 = arith.constant 0 : i32
      %dma_wait3A_66 = tpu.memref_slice %arg5[%add3A, %dma_wait3A_65] : memref<32x16xf32, #tpu.memory_space<hbm>> -> memref<1x16xf32, #tpu.memory_space<hbm>>
      %dma_wait3A_67 = tpu.memref_squeeze %dma_wait3A_66 : memref<1x16xf32, #tpu.memory_space<hbm>> -> memref<16xf32, #tpu.memory_space<hbm>>
      %dma_wait3A_68 = arith.constant 0 : i32
      %dma_wait3A_69 = tpu.memref_slice %arg5[%add3A, %dma_wait3A_68] : memref<32x16xf32, #tpu.memory_space<hbm>> -> memref<1x16xf32, #tpu.memory_space<hbm>>
      %dma_wait3A_70 = tpu.memref_squeeze %dma_wait3A_69 : memref<1x16xf32, #tpu.memory_space<hbm>> -> memref<16xf32, #tpu.memory_space<hbm>>
      tpu.wait_dma2 semaphore(%run_scoped3A : memref<!tpu.dma_semaphore, #tpu.memory_space<semaphore_mem>>) src(%arg9 : memref<16xf32, #tpu.memory_space<vmem>>) dst(%dma_wait3A_70 : memref<16xf32, #tpu.memory_space<hbm>>)
      tpu.yield
    }) : () -> ()
    return
  }
}

</mosaic_0001>

<sc_bundles>
// kernel: kernel.3.cloned.1.call-start
scs
__scs_entry_jumppad:
0x0: {  	(pc) =	sbr.rel $0x88, $3  }
0x1: {  	(tag) =	ssettag $0x0;
	lr =	simm.s32 $0x1  }
0x2: {  	[smem:$0x3F9E] =	sst lr;
	_ =	strace $0xD0000000  }
0x3: {  	_ = 	snop  }
0x4: {  	_ = 	snop  }
0x5: {  	_ = 	snop  }
0x6: {  	_ = 	snop  }
0x7: {  	_ = 	snop  }
__scs_overlays_trampoline_lowered:
0x8: {  	[smem:$0x3FAD] =	sst s0  }
0x9: {  	[smem:$0x3FAE] =	sst s1  }
0xa: {  	[smem:$0x3FAF] =	sst s2  }
0xb: {  	[smem:$0x3FB0] =	sst s3  }
0xc: {  	[smem:$0x3FB1] =	sst s4  }
0xd: {  	[smem:$0x3FB2] =	sst s5  }
0xe: {  	[smem:$0x3FB3] =	sst s6  }
0xf: {  	[smem:$0x3FB4] =	sst s7  }
0x10: {  	[smem:$0x3FB5] =	sst s8  }
0x11: {  	[smem:$0x3FB6] =	sst s9;
	s0 =	simm.s32 @!p0 $0x0  }
0x12: {  	s1 =	sld [smem:$0x3F9C];
	s0 =	simm.s32 @p0 $0x1  }
0x13: {  	[smem:$0x3FB7] =	sst s0;
	s0 =	simm.s32 @!p1 $0x0  }
0x14: {  	s2 =	sld [smem:$0x3F9B];
	s0 =	simm.s32 @p1 $0x1  }
0x15: {  	[smem:$0x3FB8] =	sst s0;
	s0 =	simm.s32 @!p2 $0x0  }
0x16: {  	s3 =	sld [smem:$0x3FDB];
	s0 =	simm.s32 @p2 $0x1  }
0x17: {  	s4 =	simm.s32 $0x1BF5;
	[smem:$0x3FBA] =	sst s0  }
0x18: {  	s0 =	sld [smem:$0x3F9D];
	_ =	swait.ge [sflag:s4], $0x0  }
0x19: {  	s7 =	sld [smem:$0x3F9E]  }
0x1a: {  	s8 =	sadd.s32 $0xFFFFE003, lr  }
0x1b: {  	s9 =	sadd.s32 $0xFFFFFEF7, lr;
	s5 =	simm.s32 $0xFFFFFFFF;
	p2 =	slt.u32 s8, $0xFFFFF086  }
0x1c: {  	p1 =	slt.u32 s9, $0xF7A;
	s5 =	simm.s32 @!p2 $0x0  }
0x1d: {  	s5 =	simm.s32 @p1 $0x1;
	p0 =	seq.s32 s7, s2  }
0x1e: {  	s7 =	smul.u32 @!p0 $0xF7A, s2;
	p2 =	seq.s32 @!p0 s5, $0x0  }
0x1f: {  	s9 =	smul.u32 $0xF7A, s1;
	s8 =	simm.s32 @!p0 $0x1BF5;
	p2 =	por !p2, p0  }
0x20: {  	[sflag:s8] =	ssyncset.s32 @!p0 $0xFFFFF086;
	s6 =	sadd.s32 @!p0 s3, s7;
	s7 =	simm.s32 @!p0 $0x108  }
0x21: {  	s3 =	sadd.s32 s3, s9;
	s6 =	sadd.s32 @!p0 $0x88, s6;
	s7 =	simm.s32 @p2 $0x1082  }
0x22: {  	[simem:s7], [sflag:s8] =	dma.local @!p0 [hbm:s6], $0xF7A  }
0x23: {  	s9 =	sor.u32 $0xD0000000, s2;
	s6 =	simm.s32 $0x108;
	_ =	swait.ge @!p0 [sflag:s8], $0x0  }
0x24: {  	s3 =	sadd.s32 $0x88, s3;
	s6 =	simm.s32 @!p1 $0x1082;
	[sflag:s4] =	ssyncset.s32 $0xFFFFF086  }
0x25: {  	[simem:s6], [sflag:s4] =	dma.local [hbm:s3], $0xF7A  }
0x26: {  	[smem:$0x3F9E] =	sst s1;
	(tag) =	ssettag s2;
	_ =	strace s9  }
0x27: {  	s1 =	sld [smem:$0x3FAE]  }
0x28: {  	s2 =	sld [smem:$0x3FAF]  }
0x29: {  	s4 =	sld [smem:$0x3FB1]  }
0x2a: {  	p0 =	seq.s32 s5, $0x0;
	s5 =	sld [smem:$0x3FB2]  }
0x2b: {  	s6 =	sld [smem:$0x3FB3]  }
0x2c: {  	s7 =	sld [smem:$0x3FB4]  }
0x2d: {  	s3 =	simm.s32 $0x108;
	s8 =	sld [smem:$0x3FB5]  }
0x2e: {  	s3 =	simm.s32 @!p0 $0x1082;
	s9 =	sld [smem:$0x3FB6]  }
0x2f: {  	lr =	sadd.s32 s0, s3;
	s0 =	sld [smem:$0x3FAD]  }
0x30: {  	s3 =	sld [smem:$0x3FB0]  }
0x31: {  	[smem:$0x3FB9] =	sst s10  }
0x32: {  	s10 =	sld [smem:$0x3FB7];
	_ =	sdelay $0x3  }
0x33: {  	p0 =	seq.s32 s10, $0x1;
	s10 =	sld [smem:$0x3FB9];
	_ =	sdelay $0x3  }
0x34: {  	[smem:$0x3FB9] =	sst s10  }
0x35: {  	s10 =	sld [smem:$0x3FB8];
	_ =	sdelay $0x3  }
0x36: {  	p1 =	seq.s32 s10, $0x1;
	s10 =	sld [smem:$0x3FB9];
	_ =	sdelay $0x3  }
0x37: {  	[smem:$0x3FB9] =	sst s10  }
0x38: {  	s10 =	sld [smem:$0x3FBA]  }
0x39: {  	_ = 	snop;
	(pc) =	sbr.ind lr, $3  }
0x3a: {  	_ = 	snop  }
0x3b: {  	_ = 	snop  }
0x3c: {  	p2 =	seq.s32 s10, $0x1;
	s10 =	sld [smem:$0x3FB9]  }
0x3d: {  	_ =	shalt  }
0x3e: {  	_ =	shalt  }
0x3f: {  	_ =	shalt  }
0x40: {  	_ =	shalt  }
0x41: {  	_ =	shalt  }
0x42: {  	_ =	shalt  }
0x43: {  	_ =	shalt  }
0x44: {  	_ =	shalt  }
0x45: {  	_ =	shalt  }
0x46: {  	_ =	shalt  }
0x47: {  	_ =	shalt  }
0x48: {  	_ =	shalt  }
0x49: {  	_ =	shalt  }
0x4a: {  	_ =	shalt  }
0x4b: {  	_ =	shalt  }
0x4c: {  	_ =	shalt  }
0x4d: {  	_ =	shalt  }
0x4e: {  	_ =	shalt  }
0x4f: {  	_ =	shalt  }
0x50: {  	_ =	shalt  }
0x51: {  	_ =	shalt  }
0x52: {  	_ =	shalt  }
0x53: {  	_ =	shalt  }
0x54: {  	_ =	shalt  }
0x55: {  	_ =	shalt  }
0x56: {  	_ =	shalt  }
0x57: {  	_ =	shalt  }
0x58: {  	_ =	shalt  }
0x59: {  	_ =	shalt  }
0x5a: {  	_ =	shalt  }
0x5b: {  	_ =	shalt  }
0x5c: {  	_ =	shalt  }
0x5d: {  	_ =	shalt  }
0x5e: {  	_ =	shalt  }
0x5f: {  	_ =	shalt  }
0x60: {  	_ =	shalt  }
0x61: {  	_ =	shalt  }
0x62: {  	_ =	shalt  }
0x63: {  	_ =	shalt  }
0x64: {  	_ =	shalt  }
0x65: {  	_ =	shalt  }
0x66: {  	_ =	shalt  }
0x67: {  	_ =	shalt  }
0x68: {  	_ =	shalt  }
0x69: {  	_ =	shalt  }
0x6a: {  	_ =	shalt  }
0x6b: {  	_ =	shalt  }
0x6c: {  	_ =	shalt  }
0x6d: {  	_ =	shalt  }
0x6e: {  	_ =	shalt  }
0x6f: {  	_ =	shalt  }
0x70: {  	_ =	shalt  }
0x71: {  	_ =	shalt  }
0x72: {  	_ =	shalt  }
0x73: {  	_ =	shalt  }
0x74: {  	_ =	shalt  }
0x75: {  	_ =	shalt  }
0x76: {  	_ =	shalt  }
0x77: {  	_ =	shalt  }
0x78: {  	_ =	shalt  }
0x79: {  	_ =	shalt  }
0x7a: {  	_ =	shalt  }
0x7b: {  	_ =	shalt  }
0x7c: {  	_ =	shalt  }
0x7d: {  	_ =	shalt  }
0x7e: {  	_ =	shalt  }
0x7f: {  	_ =	shalt  }
0x80: {  	_ =	shalt  }
0x81: {  	_ =	shalt  }
0x82: {  	_ =	shalt  }
0x83: {  	_ =	shalt  }
0x84: {  	_ =	shalt  }
0x85: {  	_ =	shalt  }
0x86: {  	_ =	shalt  }
0x87: {  	_ =	shalt  }
.Lfunc_end0:
.L_simem_size_0:
called_computation_lowered:
.L_overlay_start_0:
0x88: {  	s2 =	sld [smem:$0x3FD9]  }
0x89: {  	s3 =	sld [smem:$0x3FFE];
	_ =	sdelay $0x1  }
0x8a: {  	s1 =	srdreg.scid  }
0x8b: {  	s0 =	sand.u32 $0x1, s1  }
0x8c: {  	s17 =	sshll.u32 s0, $0xA;
	s2 =	sadd.s32 s3, s2  }
0x8d: {  	s2 =	sadd.s32 s2, s17  }
0x8e: {  	[smem:$0x3FC5] =	sst s2  }
0x8f: {  	_ = 	snop  }
0x90: {  	s2 =	sld [smem:$0x3FC9]  }
0x91: {  	s18 =	sld [smem:$0x3FC8]  }
0x92: {  	s4 =	sld [smem:$0x3FC7];
	(tm) =	ssettm $0x1  }
0x93: {  	s5 =	sld [smem:$0x3FFB];
	_ =	sdelay $0x3  }
0x94: {  	_ =	strace s5  }
0x95: {  	s5 =	sld [smem:$0x3FFC];
	_ =	sdelay $0x3  }
0x96: {  	_ =	strace s5  }
0x97: {  	s5 =	sld [smem:$0x3FFD];
	_ =	sdelay $0x3  }
0x98: {  	_ =	strace s5  }
0x99: {  	_ =	strace $0x8FFFFFFF  }
0x9a: {  	s19 =	sld [smem:$0x3FDB];
	_ =	sdelay $0x1  }
0x9b: {  	s6 =	simm.s32 $_scs_section_size  }
0x9c: {  	s7 =	simm.s32 $_size__tile_overlayer_lowered;
	s8 =	simm.s32 $_tile_overlayer_lowered  }
0x9d: {  	s22 =	simm.s32 $0x1BFF;
	s21 =	sshll.u32 s8, $0x1;
	s5 =	sadd.s32 s6, s19  }
0x9e: {  	s9 =	simm.s32 $0x0;
	s20 =	sshll.u32 s7, $0x1;
	s7 =	sadd.s32 s21, s5  }
0x9f: {  	[timem:s9], [sflag:s22] =	dma.local [hbm:s7], s20  }
0xa0: {  	_ =	swait.ge [sflag:s22], s20  }
0xa1: {  	s6 =	ssub.s32 $0x0, s20;
	[sflag:s22] =	ssyncset.done $0x0  }
0xa2: {  	[sflag:s22] =	ssyncadd.s32 s6;
	_ =	sdelay $0x1  }
0xa3: {  	s23 =	simm.s32 $0x1B8B  }
0xa4: {  	_ =	swait.ge [sflag:s23], $0x1  }
0xa5: {  	[sflag:s23] =	ssyncset.done $0x0  }
0xa6: {  	s25 =	simm.s32 $0x1B8E;
	s24 =	sld [smem:$0x3FFE];
	[sflag:s23] =	ssyncadd.s32 $0xFFFFFFFF  }
0xa7: {  	s26 =	simm.s32 $execute0_lowered;
	[smem:$0x3FD2] =	sst s25  }
0xa8: {  	s7 =	sshll.u32 s26, $0x1;
	_ =	strace $0x80000046;
	[dreg:$0x1] =	wrdreg $0xFFFFFFFF  }
0xa9: {  	s28 =	simm.s32 $_size_execute0_lowered;
	s5 =	sadd.s32 s5, s7;
	[dreg:$0x0] =	wrdreg $0x0  }
0xaa: {  	s7 =	sshll.u32 s28, $0x1;
	[dreg:$0x2] =	wrdreg s5  }
0xab: {  	[dreg:$0x3] =	wrdreg s7  }
0xac: {  	[dreg:$0x4] =	wrdreg $0xC0  }
0xad: {  	_ =	task [dreg:s9], $0x5FFFF  }
0xae: {  	[dreg:$0x1] =	wrdreg $0xFFFFFFFF  }
0xaf: {  	[dreg:$0x0] =	wrdreg $0x60  }
0xb0: {  	[dreg:$0x2] =	wrdreg s2  }
0xb1: {  	[dreg:$0x3] =	wrdreg s18  }
0xb2: {  	[dreg:$0x4] =	wrdreg s4  }
0xb3: {  	[dreg:$0x5] =	wrdreg s24  }
0xb4: {  	[dreg:$0x6] =	wrdreg $0x9  }
0xb5: {  	_ =	task.clear_ibuf [dreg:s9], $0x7FFFF;
	_ =	strace $0x90000046  }
0xb6: {  	s29 =	simm.s32 $0x9;
	_ =	strace $0x80000048  }
0xb7: {  	_ =	swait.ge [sflag:s29], $0x1  }
0xb8: {  	[sflag:s29] =	ssyncadd.s32 $0xFFFFFFFF  }
0xb9: {  	_ =	strace $0x90000048  }
0xba: {  	_ =	sfence  }
0xbb: {  	s30 =	sld [smem:$0x0];
	_ =	sdelay $0x2  }
0xbc: {  	s31 =	sshll.u32 s1, $0xD;
	s1 =	sshrl.u32 s1, $0x2  }
0xbd: {  	s3 =	sand.u32 $0x4000, s31;
	s1 =	sadd.s32 s1, s30  }
0xbe: {  	s0 =	sor.u32 s3, s0;
	s1 =	sshll.u32 s1, $0x11  }
0xbf: {  	s0 =	sor.u32 s1, s0  }
0xc0: {  	s0 =	sadd.s32 $0x8F2B, s0  }
0xc1: {  	[sflag:s0] =	ssyncadd.remote.s32 $0x1  }
0xc2: {  	_ =	sfence.sel $0xFFFF  }
0xc3: {  	[dreg:$0x0] =	wrdreg $0xFFFFFFFF;
	(pc) =	sbr.abs _section_cstart, $3  }
0xc4: {  	[dreg:$0x1] =	wrdreg $0xFFFFFFFF  }
0xc5: {  	_ =	task.clear_ibuf [dreg:s9], $0x2FFFF;
	_ =	strace $0x9FFFFFFF  }
0xc6: {  	(tm) =	ssettm $0x7FFFFFFF  }
0xc7: {  	_ =	shalt  }
tec
execute0_lowered:
.L_overlay_start_1:
0x0: {  	(tag) =	ssettag $0x1  }
0x1: {  	s5 =	rddreg [dreg:$0x0]  }
0x2: {  	s4 =	rddreg [dreg:$0x1]  }
0x3: {  	s1 =	rddreg [dreg:$0x2]  }
0x4: {  	s6 =	rddreg [dreg:$0x3]  }
0x5: {  	s0 =	rddreg [dreg:$0x4]  }
0x6: {  	s3 =	simm.s32 $0x0;
	s7 =	srdreg.scid;
	s2 =	stileid.u32  }
0x7: {  	s11 =	simm.s32 $0x1;
	s12 =	simm.s32 $0x2;
	s13 =	simm.s32 $0x8080  }
0x8: {  	s14 =	simm.s32 $0x0;
	s7 =	sand.u32 $0x1, s7;
	s8 =	sshll.u32 s2, $0x1  }
0x9: {  	[smem:$0x7FF] =	sst s3;
	s9 =	ssub.s32 $0x2, s7;
	s7 =	sor.u32 s7, s8  }
0xa: {  	_ =	strace $0x80000047;
	s31 =	sshrl.u32 s9, $0x1;
	s10 =	sshll.u32 s7, $0xB  }
0xb: {  	s7 =	sshll.u32 s7, $0x4;
	s8 =	ssub.s32 s9, s31;
	s4 =	sadd.s32 s4, s10  }
0xc: {  	s5 =	sadd.s32 s5, s7;
	s6 =	sadd.s32 s6, s7;
	s9 =	simm.s32 $0x3  }
0xd: {  	s10 =	simm.s32 $0x80;
	s7 =	smax.u32 s8, $0x1;
	s8 =	simm.s32 $0x4080  }
.LBB2_1:
0xe: {  	[tilespmem:s8], [sflag:$0x1] =	stream.linear.gather [hbm4b:s4+s3], $0x4000, $0x38;
	[tilespmem:$0x8100] =	vst v63  }
0xf: {  	_ = 	snop  }
0x10: {  	[tilespmem:s3], [sflag:$0x3] =	stream.linear.gather [hbm4b:s5+s3], $0x80, $0x38;
	[tilespmem:$0x8100] =	vst v63  }
0x11: {  	_ =	swait.ge [sflag:s9], $0x80  }
0x12: {  	[sflag:s9] =	ssyncset.done $0x0  }
0x13: {  	[sflag:s9] =	ssyncadd.s32 $0xFFFFFF80  }
0x14: {  	[tilespmem:s10], [sflag:$0x2] =	stream.indirect.gather [hbm4b:s1+s10], $0x80, s3, s10, $0xb8;
	[tilespmem:$0x8100] =	vst v63  }
0x15: {  	_ =	swait.ge [sflag:s11], $0x4000  }
0x16: {  	[sflag:s11] =	ssyncset.done $0x0  }
0x17: {  	[sflag:s11] =	ssyncadd.s32 $0xFFFFC000  }
0x18: {  	_ =	swait.ge [sflag:s12], $0x4000  }
0x19: {  	[sflag:s12] =	ssyncset.done $0x0  }
0x1a: {  	s16 =	simm.s32 $0x0;
	[sflag:s12] =	ssyncadd.s32 $0xFFFFC000  }
0x1b: {  	v0 =	vld [tilespmem:s16+$0x40F0]  }
0x1c: {  	v1 =	vld [tilespmem:s16+$0xF0]  }
0x1d: {  	v2 =	vld [tilespmem:s16+$0x4080]  }
0x1e: {  	v3 =	vld [tilespmem:s16+$0x80]  }
0x1f: {  	v4 =	vld [tilespmem:s16+$0x4090]  }
0x20: {  	v5 =	vld [tilespmem:s16+$0x90]  }
0x21: {  	v6 =	vld [tilespmem:s16+$0x40A0]  }
0x22: {  	v7 =	vld [tilespmem:s16+$0xA0]  }
0x23: {  	v10 =	vld [tilespmem:s16+$0x40B0]  }
0x24: {  	v11 =	vld [tilespmem:s16+$0xB0];
	_ =	sdelay $0x2  }
0x25: {  	v14 =	vld [tilespmem:s16+$0x40C0];
	v0 =	vsub.f32 v0, v1;
	v1 =	vsub.f32 v2, v3  }
0x26: {  	v2 =	vsub.f32 v4, v5;
	v5 =	vld [tilespmem:s16+$0xC0];
	v3 =	vsub.f32 v6, v7  }
0x27: {  	v8 =	vld [tilespmem:s16+$0x40D0];
	v11 =	vsub.f32 v10, v11;
	v0 =	vmul.f32 v0, v0;
	v1 =	vmul.f32 v1, v1  }
0x28: {  	v9 =	vld [tilespmem:s16+$0xD0];
	v4 =	vimm.f32 $0.0e+00;
	v6 =	vmul.f32 v2, v2;
	v7 =	vmul.f32 v3, v3  }
0x29: {  	v12 =	vld [tilespmem:s16+$0xE0];
	v13 =	vmul.f32 v11, v11;
	v2 =	vadd.f32 v0, v4;
	v3 =	vadd.f32 v1, v4  }
0x2a: {  	s15 =	simm.s32 $0x80;
	v10 =	vld [tilespmem:s16+$0x40E0];
	v0 =	vadd.f32 v6, v4;
	v1 =	vadd.f32 v7, v4;
	v7 =	vimm.f32 $0.0e+00  }
0x2b: {  	s16 =	simm.s32 $0x400;
	v11 =	vld [tilespmem:s15+$0x40F0];
	v6 =	vimm.f32 $0.0e+00;
	v14 =	vsub.f32 v14, v5;
	v5 =	vimm.f32 $0.0e+00  }
.LBB2_2:
0x2c: {  	p0 =	sne.s32 s16, $0xFE00;
	v15 =	vld [tilespmem:s15+$0xF0]  }
0x2d: {  	v16 =	vld [tilespmem:s15+$0x4080];
	v4 =	vadd.f32 v13, v4;
	v13 =	vmul.f32 v14, v14;
	v8 =	vsub.f32 v8, v9  }
0x2e: {  	v9 =	vld [tilespmem:s15+$0x80]  }
0x2f: {  	v14 =	vld [tilespmem:s15+$0x4090];
	v7 =	vadd.f32 v13, v7;
	v8 =	vmul.f32 v8, v8;
	v10 =	vsub.f32 v10, v12  }
0x30: {  	v12 =	vld [tilespmem:s15+$0x90]  }
0x31: {  	v13 =	vld [tilespmem:s15+$0x40A0];
	v11 =	vsub.f32 v11, v15;
	v5 =	vadd.f32 v8, v5;
	v8 =	vmul.f32 v10, v10  }
0x32: {  	v10 =	vld [tilespmem:s15+$0xA0]  }
0x33: {  	v9 =	vsub.f32 v16, v9;
	v15 =	vld [tilespmem:s15+$0x40B0];
	v11 =	vmul.f32 v11, v11;
	v6 =	vadd.f32 v8, v6  }
0x34: {  	v16 =	vld [tilespmem:s15+$0xB0]  }
0x35: {  	v8 =	vmul.f32 v9, v9;
	v9 =	vsub.f32 v14, v12;
	v14 =	vld [tilespmem:s15+$0x40C0];
	v2 =	vadd.f32 v11, v2  }
0x36: {  	v17 =	vld [tilespmem:s15+$0xC0]  }
.Ltmp0:
0x37: {  	v3 =	vadd.f32 v8, v3;
	v11 =	vmul.f32 v9, v9;
	v10 =	vsub.f32 v13, v10;
	v8 =	vld [tilespmem:s15+$0x40D0];
	(pc) =	sbr.rel @p0 .LBB2_2-.Ltmp0, $4  }
0x38: {  	v9 =	vld [tilespmem:s15+$0xD0]  }
0x39: {  	v0 =	vadd.f32 v11, v0;
	v13 =	vmul.f32 v10, v10;
	v15 =	vsub.f32 v15, v16;
	v10 =	vld [tilespmem:s15+$0x40E0]  }
0x3a: {  	v12 =	vld [tilespmem:s15+$0xE0];
	s15 =	sshra.s32 s16, $0x2  }
0x3b: {  	s16 =	sadd.s32 $0x200, s16;
	v11 =	vld [tilespmem:s15+$0x40F0];
	v1 =	vadd.f32 v13, v1;
	v13 =	vmul.f32 v15, v15;
	v14 =	vsub.f32 v14, v17  }
0x3c: {  	v15 =	vld [tilespmem:s15+$0xF0]  }
0x3d: {  	v16 =	vld [tilespmem:s15+$0x4080]  }
0x3e: {  	v17 =	vld [tilespmem:s15+$0x80]  }
0x3f: {  	v18 =	vld [tilespmem:s15+$0x4090]  }
0x40: {  	v19 =	vld [tilespmem:s15+$0x90]  }
0x41: {  	v20 =	vld [tilespmem:s15+$0x40A0]  }
0x42: {  	v21 =	vld [tilespmem:s15+$0xA0]  }
0x43: {  	v22 =	vld [tilespmem:s15+$0x40B0]  }
0x44: {  	v23 =	vld [tilespmem:s15+$0xB0]  }
0x45: {  	v24 =	vld [tilespmem:s15+$0x40C0]  }
0x46: {  	v25 =	vld [tilespmem:s15+$0xC0];
	v8 =	vsub.f32 v8, v9  }
0x47: {  	v47 =	vld [tilespmem:s15+$0x40D0];
	v48 =	vmul.f32 v14, v14  }
0x48: {  	v49 =	vld [tilespmem:s15+$0xD0];
	v4 =	vadd.f32 v13, v4;
	v46 =	vsub.f32 v10, v12;
	v8 =	vmul.f32 v8, v8  }
0x49: {  	v51 =	vld [tilespmem:s15+$0x40E0];
	v7 =	vadd.f32 v48, v7;
	v11 =	vsub.f32 v11, v15  }
0x4a: {  	v52 =	vld [tilespmem:s15+$0xE0];
	v50 =	vsub.f32 v16, v17;
	v5 =	vadd.f32 v8, v5  }
0x4b: {  	v54 =	vsub.f32 v18, v19;
	v55 =	vsub.f32 v20, v21  }
0x4c: {  	v9 =	vmul.f32 v46, v46;
	v56 =	vsub.f32 v22, v23;
	v57 =	vsub.f32 v24, v25  }
0x4d: {  	v10 =	vsub.f32 v47, v49;
	v11 =	vmul.f32 v11, v11;
	v53 =	vmul.f32 v50, v50  }
0x4e: {  	v6 =	vadd.f32 v9, v6;
	v9 =	vmul.f32 v54, v54;
	v8 =	vmul.f32 v55, v55  }
0x4f: {  	v12 =	vsub.f32 v51, v52;
	v58 =	vmul.f32 v56, v56;
	v59 =	vmul.f32 v57, v57  }
0x50: {  	v60 =	vmul.f32 v10, v10;
	v2 =	vadd.f32 v11, v2;
	v3 =	vadd.f32 v53, v3  }
0x51: {  	v61 =	vmul.f32 v12, v12;
	v0 =	vadd.f32 v9, v0;
	v1 =	vadd.f32 v8, v1  }
0x52: {  	v4 =	vadd.f32 v58, v4;
	v7 =	vadd.f32 v59, v7  }
0x53: {  	v5 =	vadd.f32 v60, v5;
	v6 =	vadd.f32 v61, v6  }
0x54: {  	v0 =	vadd.f32 v0, v3;
	v1 =	vadd.f32 v4, v1  }
0x55: {  	v62 =	vadd.f32 v5, v7;
	v2 =	vadd.f32 v2, v6;
	_ =	sdelay $0x1  }
0x56: {  	v0 =	vadd.f32 v1, v0;
	v63 =	vadd.f32 v2, v62;
	_ =	sdelay $0x1  }
0x57: {  	s14 =	sadd.s32 $0x1, s14;
	v0 =	vadd.f32 v63, v0  }
0x58: {  	p0 =	sne.s32 s14, s7  }
.Ltmp1:
0x59: {  	[tilespmem:$0x8080] =	vst v0;
	(pc) =	sbr.rel @p0 .LBB2_1-.Ltmp1, $4  }
0x5a: {  	[hbm4b:s6+s3] =	stream.linear.scatter [tilespmem:s13], [sflag:$0x3], $0x80, $0x38;
	[tilespmem:$0x8100] =	vst v63  }
0x5b: {  	_ =	swait.ge [sflag:s9], $0x80  }
0x5c: {  	[sflag:s9] =	ssyncset.done $0x0  }
0x5d: {  	[sflag:s9] =	ssyncadd.s32 $0xFFFFFF80  }
0x5e: {  	_ =	sfence.sel $0x180000  }
0x5f: {  	[bflag:$0x0] =	sbarrier.arrive $0xFFFF  }
0x60: {  	p0 =	sne.s32 s2, $0x0;
	_ =	strace $0x90000047  }
0x61: {  	s0 =	sadd.s32 @!p0 $0x100000, s0;
	[bflag:$0x2] =	sbarrier.arrive $0xFFFF  }
0x62: {  	[sflag:s0] =	ssyncadd.tile.s32 @!p0 $0x1;
	_ =	shalt  }
.Lfunc_end2:
_tile_overlayer_lowered:
.L_overlay_start_2:
0x63: {  	(tag) =	ssettag $0x2  }
0x64: {  	s0 =	rddreg [dreg:$0x0];
	s2 =	stileid.u32  }
0x65: {  	s1 =	rddreg [dreg:$0x1];
	p0 =	sne.s32 s2, $0x0  }
0x66: {  	s3 =	rddreg [dreg:$0x2];
	[bflag:$0x3] =	sbarrier.arrive $0xFFFF;
	s2 =	simm.s32 @!p0 $0x1C03  }
0x67: {  	[timem:s3], [sflag:s2] =	dma.local @!p0 [hbm:s0], s1  }
0x68: {  	s0 =	simm.s32 @!p0 $0x3  }
0x69: {  	_ =	swait.ge @!p0 [sflag:s0], s1  }
0x6a: {  	s1 =	ssub.s32 @!p0 $0x0, s1;
	[sflag:s0] =	ssyncset.done @!p0 $0x0  }
0x6b: {  	[sflag:s0] =	ssyncadd.s32 @!p0 s1  }
0x6c: {  	[bflag:$0x3] =	sbarrier.arrive $0xFFFF  }
0x6d: {  	_ =	shalt  }

</sc_bundles>
